<compile_context>
chip_gen: v7x
topology: tpu7x:2x2x1
jax: 0.10.2.dev20260603
libtpu: 0.0.44.dev20260713+nightly
codegen_flags: <defaults>
</compile_context>

<pallas_src>
import jax
import jax.numpy as jnp
from jax import lax
from jax.experimental import pallas as pl
from jax.experimental.pallas import tpu as pltpu
from jax.experimental.pallas import tpu_sc as plsc

SEG = 2048
NSEG = 16
N = SEG * NSEG
L = 16
CHUNKS = SEG // L
UNROLL = 8


def _body(x_hbm, out_hbm, xbuf, obuf, hbuf, sem_in, sem_out):
    wid = lax.axis_index("s")

    lanes = lax.iota(jnp.int32, L)
    zeros = jnp.zeros((L,), jnp.float32)

    h_in = pltpu.async_copy(x_hbm.at[pl.ds(wid * SEG, SEG)], xbuf, sem_in)

    @plsc.parallel_loop(0, SEG, step=L, unroll=UNROLL)
    def _fill(off):
        obuf[pl.ds(off, L)] = zeros

    h_out = pltpu.async_copy(obuf, out_hbm.at[pl.ds(wid * SEG, SEG)], sem_out)

    h_in.wait()

    def step(j, carry):
        vmaxs, vidxs = carry
        new_vmaxs, new_vidxs = [], []
        for u in range(UNROLL):
            off = j * (UNROLL * L) + u * L
            v = xbuf[pl.ds(off, L)]
            pred = v > vmaxs[u]
            new_vmaxs.append(jnp.where(pred, v, vmaxs[u]))
            new_vidxs.append(jnp.where(pred, off + lanes, vidxs[u]))
        return (tuple(new_vmaxs), tuple(new_vidxs))

    vmaxs, vidxs = lax.fori_loop(
        0, CHUNKS // UNROLL, step,
        (tuple(jnp.full((L,), -jnp.inf, dtype=jnp.float32)
               for _ in range(UNROLL)),
         tuple(jnp.zeros((L,), jnp.int32) for _ in range(UNROLL))),
    )
    vmax, vidx = vmaxs[0], vidxs[0]
    for u in range(1, UNROLL):
        v, ii = vmaxs[u], vidxs[u]
        pred = (v > vmax) | ((v == vmax) & (ii < vidx))
        vmax = jnp.where(pred, v, vmax)
        vidx = jnp.where(pred, ii, vidx)
    bv, bi = vmax[0], vidx[0]
    for i in range(1, L):
        v, ii = vmax[i], vidx[i]
        better = (v > bv) | ((v == bv) & (ii < bi))
        bv = jnp.where(better, v, bv)
        bi = jnp.where(better, ii, bi)
    base = bi - (bi % L)
    hbuf[...] = jnp.where(lanes == bi - base, 1.0, 0.0).astype(jnp.float32)
    h_out.wait()
    off = pl.multiple_of(wid * SEG + base, L)
    pltpu.sync_copy(hbuf, out_hbm.at[pl.ds(off, L)])


def kernel(x, graph_size_list):
    del graph_size_list
    mesh = plsc.VectorSubcoreMesh(
        core_axis_name="c", subcore_axis_name="s", num_cores=1)
    f = pl.kernel(
        _body,
        mesh=mesh,
        out_type=jax.ShapeDtypeStruct((N,), jnp.float32),
        scratch_types=[
            pltpu.VMEM((SEG,), jnp.float32),
            pltpu.VMEM((SEG,), jnp.float32),
            pltpu.VMEM((L,), jnp.float32),
            pltpu.SemaphoreType.DMA,
            pltpu.SemaphoreType.DMA,
        ],
    )
    return f(x)

# --- scband reference (transcript-rebuilt; emitter-appended) ---
"""Pipeline reference for scband-max-73521250173295 (READ-ONLY COPY).

The authoritative reference and input builder live on the scoring server;
editing this copy changes nothing except your own understanding.
"""

import jax, jax.numpy as jnp
import numpy as np


def setup_inputs(seed: int = 0) -> dict:
    key = jax.random.key(seed)
    x = jax.random.normal(jax.random.fold_in(key, 0), (32768,), dtype=jnp.float32)
    # graph_size_list: uniform segment size (torch.split with an int splits into equal chunks)
    graph_size_list = 2048
    return {"x": x, "graph_size_list": graph_size_list}


def reference(x, graph_size_list):
    # Faithful translation of Max.forward: split flat x into segments of size
    # graph_size_list, take one-hot of per-segment argmax, concatenate back.
    seg = 2048
    B = x.shape[0] // seg
    xr = x.reshape(B, seg)
    idx = jnp.argmax(xr, axis=-1)                      # [B]
    onehot = jax.nn.one_hot(idx, seg, dtype=x.dtype)   # [B, seg] == eye[argmax]
    out = onehot.reshape(-1).astype(x.dtype)           # [N*B]
    return out + (jnp.asarray(graph_size_list) - seg).astype(x.dtype)

if __name__ == "__main__":
    import jax
    _d = setup_inputs()
    print(jax.jit(kernel)(*tuple(_d.values())))

</pallas_src>

<mosaic_0001>
#map = affine_map<(d0, d1) -> (0)>
module attributes {stable_mosaic.version = 14 : i64} {
  func.func @_body(%arg0: i32, %arg1: i32, %arg2: memref<32768xf32, #tpu.memory_space<hbm>>, %arg3: memref<32768xf32, #tpu.memory_space<hbm>>, %arg4: memref<2048xf32, #tpu.memory_space<vmem>>, %arg5: memref<2048xf32, #tpu.memory_space<vmem>>, %arg6: memref<16xf32, #tpu.memory_space<vmem>>, %arg7: memref<!tpu.dma_semaphore, #tpu.memory_space<semaphore_mem>>, %arg8: memref<!tpu.dma_semaphore, #tpu.memory_space<semaphore_mem>>) attributes {dimension_semantics = [#tpu.dimension_semantics<core_parallel>, #tpu.dimension_semantics<subcore_parallel>], iteration_bounds = array<i64: 1, 16>, scalar_prefetch = 0 : i64, scratch_operands = 5 : i64, tpu.core_type = #tpu.core_type<sc_vector_subcore>, window_params = [{transform_indices = #map}, {transform_indices = #map}]} {
    %iota3A = tpu.iota {dimensions = array<i32: 0>} : vector<16xi32>
    %broadcast_in_dim3A = arith.constant 0.000000e+00 : f32
    %broadcast_in_dim3A_0 = vector.broadcast %broadcast_in_dim3A : f32 to vector<16xf32>
    %mul3A = arith.constant 2048 : i32
    %mul3A_1 = arith.muli %arg1, %mul3A : i32
    %dma_start3A = tpu.memref_slice %arg2[%mul3A_1] : memref<32768xf32, #tpu.memory_space<hbm>> -> memref<2048xf32, #tpu.memory_space<hbm>>
    %dma_start3A_2 = tpu.memref_slice %arg2[%mul3A_1] : memref<32768xf32, #tpu.memory_space<hbm>> -> memref<2048xf32, #tpu.memory_space<hbm>>
    tpu.enqueue_dma source(%dma_start3A_2 : memref<2048xf32, #tpu.memory_space<hbm>>) target(%arg4 : memref<2048xf32, #tpu.memory_space<vmem>>) target_semaphore(%arg7 : memref<!tpu.dma_semaphore, #tpu.memory_space<semaphore_mem>>)
    %parallel_loop3A = arith.constant 0 : i32
    %parallel_loop3A_3 = arith.constant 2048 : i32
    %parallel_loop3A_4 = arith.constant 16 : i32
    scf.for %parallel_loop3A_285 = %parallel_loop3A to %parallel_loop3A_3 step %parallel_loop3A_4  : i32 {
      %parallel_loop3A_286 = arith.index_cast %parallel_loop3A_285 : i32 to index
      %parallel_loop3A_287 = tpu.vector_load %arg5[%parallel_loop3A_286] {strides = array<i32>} : memref<2048xf32, #tpu.memory_space<vmem>>, vector<16xf32>,
      %parallel_loop3A_288 = vector.shape_cast %parallel_loop3A_287 : vector<16xf32> to vector<16xf32>
      %parallel_loop3A_289 = vector.shape_cast %broadcast_in_dim3A_0 : vector<16xf32> to vector<16xf32>
      tpu.vector_store %arg5[%parallel_loop3A_286], %parallel_loop3A_289 {strides = array<i32>} : memref<2048xf32, #tpu.memory_space<vmem>>, vector<16xf32>,
    } {sc.loop_unroll_factor = 8 : i64, sc.parallel_access}
    %mul3A_5 = arith.constant 2048 : i32
    %mul3A_6 = arith.muli %arg1, %mul3A_5 : i32
    %dma_start3A_7 = tpu.memref_slice %arg3[%mul3A_6] : memref<32768xf32, #tpu.memory_space<hbm>> -> memref<2048xf32, #tpu.memory_space<hbm>>
    %dma_start3A_8 = tpu.memref_slice %arg3[%mul3A_6] : memref<32768xf32, #tpu.memory_space<hbm>> -> memref<2048xf32, #tpu.memory_space<hbm>>
    tpu.enqueue_dma source(%arg5 : memref<2048xf32, #tpu.memory_space<vmem>>) target(%dma_start3A_8 : memref<2048xf32, #tpu.memory_space<hbm>>) target_semaphore(%arg8 : memref<!tpu.dma_semaphore, #tpu.memory_space<semaphore_mem>>)
    %dma_wait3A = tpu.memref_slice %arg2[%mul3A_1] : memref<32768xf32, #tpu.memory_space<hbm>> -> memref<2048xf32, #tpu.memory_space<hbm>>
    %dma_wait3A_9 = tpu.memref_slice %arg2[%mul3A_1] : memref<32768xf32, #tpu.memory_space<hbm>> -> memref<2048xf32, #tpu.memory_space<hbm>>
    tpu.wait_dma2 semaphore(%arg7 : memref<!tpu.dma_semaphore, #tpu.memory_space<semaphore_mem>>) src(%dma_wait3A_9 : memref<2048xf32, #tpu.memory_space<hbm>>) dst(%arg4 : memref<2048xf32, #tpu.memory_space<vmem>>)
    %broadcast_in_dim3A_10 = arith.constant 0xFF800000 : f32
    %broadcast_in_dim3A_11 = vector.broadcast %broadcast_in_dim3A_10 : f32 to vector<16xf32>
    %broadcast_in_dim3A_12 = arith.constant 0xFF800000 : f32
    %broadcast_in_dim3A_13 = vector.broadcast %broadcast_in_dim3A_12 : f32 to vector<16xf32>
    %broadcast_in_dim3A_14 = arith.constant 0xFF800000 : f32
    %broadcast_in_dim3A_15 = vector.broadcast %broadcast_in_dim3A_14 : f32 to vector<16xf32>
    %broadcast_in_dim3A_16 = arith.constant 0xFF800000 : f32
    %broadcast_in_dim3A_17 = vector.broadcast %broadcast_in_dim3A_16 : f32 to vector<16xf32>
    %broadcast_in_dim3A_18 = arith.constant 0xFF800000 : f32
    %broadcast_in_dim3A_19 = vector.broadcast %broadcast_in_dim3A_18 : f32 to vector<16xf32>
    %broadcast_in_dim3A_20 = arith.constant 0xFF800000 : f32
    %broadcast_in_dim3A_21 = vector.broadcast %broadcast_in_dim3A_20 : f32 to vector<16xf32>
    %broadcast_in_dim3A_22 = arith.constant 0xFF800000 : f32
    %broadcast_in_dim3A_23 = vector.broadcast %broadcast_in_dim3A_22 : f32 to vector<16xf32>
    %broadcast_in_dim3A_24 = arith.constant 0xFF800000 : f32
    %broadcast_in_dim3A_25 = vector.broadcast %broadcast_in_dim3A_24 : f32 to vector<16xf32>
    %broadcast_in_dim3A_26 = arith.constant 0 : i32
    %broadcast_in_dim3A_27 = vector.broadcast %broadcast_in_dim3A_26 : i32 to vector<16xi32>
    %broadcast_in_dim3A_28 = arith.constant 0 : i32
    %broadcast_in_dim3A_29 = vector.broadcast %broadcast_in_dim3A_28 : i32 to vector<16xi32>
    %broadcast_in_dim3A_30 = arith.constant 0 : i32
    %broadcast_in_dim3A_31 = vector.broadcast %broadcast_in_dim3A_30 : i32 to vector<16xi32>
    %broadcast_in_dim3A_32 = arith.constant 0 : i32
    %broadcast_in_dim3A_33 = vector.broadcast %broadcast_in_dim3A_32 : i32 to vector<16xi32>
    %broadcast_in_dim3A_34 = arith.constant 0 : i32
    %broadcast_in_dim3A_35 = vector.broadcast %broadcast_in_dim3A_34 : i32 to vector<16xi32>
    %broadcast_in_dim3A_36 = arith.constant 0 : i32
    %broadcast_in_dim3A_37 = vector.broadcast %broadcast_in_dim3A_36 : i32 to vector<16xi32>
    %broadcast_in_dim3A_38 = arith.constant 0 : i32
    %broadcast_in_dim3A_39 = vector.broadcast %broadcast_in_dim3A_38 : i32 to vector<16xi32>
    %broadcast_in_dim3A_40 = arith.constant 0 : i32
    %broadcast_in_dim3A_41 = vector.broadcast %broadcast_in_dim3A_40 : i32 to vector<16xi32>
    %scan3A = arith.constant 0 : i32
    %scan3A_42 = arith.constant 16 : i32
    %scan3A_43 = arith.addi %scan3A, %scan3A_42 : i32
    %scan3A_44 = arith.constant 1 : i32
    %scan3A_45:16 = scf.for %scan3A_285 = %scan3A to %scan3A_43 step %scan3A_44 iter_args(%scan3A_286 = %broadcast_in_dim3A_11, %scan3A_287 = %broadcast_in_dim3A_13, %scan3A_288 = %broadcast_in_dim3A_15, %scan3A_289 = %broadcast_in_dim3A_17, %scan3A_290 = %broadcast_in_dim3A_19, %scan3A_291 = %broadcast_in_dim3A_21, %scan3A_292 = %broadcast_in_dim3A_23, %scan3A_293 = %broadcast_in_dim3A_25, %scan3A_294 = %broadcast_in_dim3A_27, %scan3A_295 = %broadcast_in_dim3A_29, %scan3A_296 = %broadcast_in_dim3A_31, %scan3A_297 = %broadcast_in_dim3A_33, %scan3A_298 = %broadcast_in_dim3A_35, %scan3A_299 = %broadcast_in_dim3A_37, %scan3A_300 = %broadcast_in_dim3A_39, %scan3A_301 = %broadcast_in_dim3A_41) -> (vector<16xf32>, vector<16xf32>, vector<16xf32>, vector<16xf32>, vector<16xf32>, vector<16xf32>, vector<16xf32>, vector<16xf32>, vector<16xi32>, vector<16xi32>, vector<16xi32>, vector<16xi32>, vector<16xi32>, vector<16xi32>, vector<16xi32>, vector<16xi32>)  : i32 {
      %mul3A_302 = arith.constant 128 : i32
      %mul3A_303 = arith.muli %scan3A_285, %mul3A_302 : i32
      %add3A_304 = arith.constant 0 : i32
      %add3A_305 = arith.addi %mul3A_303, %add3A_304 : i32
      %get3A = arith.index_cast %add3A_305 : i32 to index
      %get3A_306 = tpu.vector_load %arg4[%get3A] {strides = array<i32>} : memref<2048xf32, #tpu.memory_space<vmem>>, vector<16xf32>,
      %get3A_307 = vector.shape_cast %get3A_306 : vector<16xf32> to vector<16xf32>
      %gt3A_308 = arith.cmpf ogt, %get3A_307, %scan3A_286 : vector<16xf32>
      %select_n3A_309 = arith.select %gt3A_308, %get3A_307, %scan3A_286 : vector<16xi1>, vector<16xf32>
      %add3A_310 = vector.broadcast %add3A_305 : i32 to vector<16xi32>
      %add3A_311 = arith.addi %add3A_310, %iota3A : vector<16xi32>
      %select_n3A_312 = arith.select %gt3A_308, %add3A_311, %scan3A_294 : vector<16xi1>, vector<16xi32>
      %mul3A_313 = arith.constant 128 : i32
      %mul3A_314 = arith.muli %scan3A_285, %mul3A_313 : i32
      %add3A_315 = arith.constant 16 : i32
      %add3A_316 = arith.addi %mul3A_314, %add3A_315 : i32
      %get3A_317 = arith.index_cast %add3A_316 : i32 to index
      %get3A_318 = tpu.vector_load %arg4[%get3A_317] {strides = array<i32>} : memref<2048xf32, #tpu.memory_space<vmem>>, vector<16xf32>,
      %get3A_319 = vector.shape_cast %get3A_318 : vector<16xf32> to vector<16xf32>
      %gt3A_320 = arith.cmpf ogt, %get3A_319, %scan3A_287 : vector<16xf32>
      %select_n3A_321 = arith.select %gt3A_320, %get3A_319, %scan3A_287 : vector<16xi1>, vector<16xf32>
      %add3A_322 = vector.broadcast %add3A_316 : i32 to vector<16xi32>
      %add3A_323 = arith.addi %add3A_322, %iota3A : vector<16xi32>
      %select_n3A_324 = arith.select %gt3A_320, %add3A_323, %scan3A_295 : vector<16xi1>, vector<16xi32>
      %mul3A_325 = arith.constant 128 : i32
      %mul3A_326 = arith.muli %scan3A_285, %mul3A_325 : i32
      %add3A_327 = arith.constant 32 : i32
      %add3A_328 = arith.addi %mul3A_326, %add3A_327 : i32
      %get3A_329 = arith.index_cast %add3A_328 : i32 to index
      %get3A_330 = tpu.vector_load %arg4[%get3A_329] {strides = array<i32>} : memref<2048xf32, #tpu.memory_space<vmem>>, vector<16xf32>,
      %get3A_331 = vector.shape_cast %get3A_330 : vector<16xf32> to vector<16xf32>
      %gt3A_332 = arith.cmpf ogt, %get3A_331, %scan3A_288 : vector<16xf32>
      %select_n3A_333 = arith.select %gt3A_332, %get3A_331, %scan3A_288 : vector<16xi1>, vector<16xf32>
      %add3A_334 = vector.broadcast %add3A_328 : i32 to vector<16xi32>
      %add3A_335 = arith.addi %add3A_334, %iota3A : vector<16xi32>
      %select_n3A_336 = arith.select %gt3A_332, %add3A_335, %scan3A_296 : vector<16xi1>, vector<16xi32>
      %mul3A_337 = arith.constant 128 : i32
      %mul3A_338 = arith.muli %scan3A_285, %mul3A_337 : i32
      %add3A_339 = arith.constant 48 : i32
      %add3A_340 = arith.addi %mul3A_338, %add3A_339 : i32
      %get3A_341 = arith.index_cast %add3A_340 : i32 to index
      %get3A_342 = tpu.vector_load %arg4[%get3A_341] {strides = array<i32>} : memref<2048xf32, #tpu.memory_space<vmem>>, vector<16xf32>,
      %get3A_343 = vector.shape_cast %get3A_342 : vector<16xf32> to vector<16xf32>
      %gt3A_344 = arith.cmpf ogt, %get3A_343, %scan3A_289 : vector<16xf32>
      %select_n3A_345 = arith.select %gt3A_344, %get3A_343, %scan3A_289 : vector<16xi1>, vector<16xf32>
      %add3A_346 = vector.broadcast %add3A_340 : i32 to vector<16xi32>
      %add3A_347 = arith.addi %add3A_346, %iota3A : vector<16xi32>
      %select_n3A_348 = arith.select %gt3A_344, %add3A_347, %scan3A_297 : vector<16xi1>, vector<16xi32>
      %mul3A_349 = arith.constant 128 : i32
      %mul3A_350 = arith.muli %scan3A_285, %mul3A_349 : i32
      %add3A_351 = arith.constant 64 : i32
      %add3A_352 = arith.addi %mul3A_350, %add3A_351 : i32
      %get3A_353 = arith.index_cast %add3A_352 : i32 to index
      %get3A_354 = tpu.vector_load %arg4[%get3A_353] {strides = array<i32>} : memref<2048xf32, #tpu.memory_space<vmem>>, vector<16xf32>,
      %get3A_355 = vector.shape_cast %get3A_354 : vector<16xf32> to vector<16xf32>
      %gt3A_356 = arith.cmpf ogt, %get3A_355, %scan3A_290 : vector<16xf32>
      %select_n3A_357 = arith.select %gt3A_356, %get3A_355, %scan3A_290 : vector<16xi1>, vector<16xf32>
      %add3A_358 = vector.broadcast %add3A_352 : i32 to vector<16xi32>
      %add3A_359 = arith.addi %add3A_358, %iota3A : vector<16xi32>
      %select_n3A_360 = arith.select %gt3A_356, %add3A_359, %scan3A_298 : vector<16xi1>, vector<16xi32>
      %mul3A_361 = arith.constant 128 : i32
      %mul3A_362 = arith.muli %scan3A_285, %mul3A_361 : i32
      %add3A_363 = arith.constant 80 : i32
      %add3A_364 = arith.addi %mul3A_362, %add3A_363 : i32
      %get3A_365 = arith.index_cast %add3A_364 : i32 to index
      %get3A_366 = tpu.vector_load %arg4[%get3A_365] {strides = array<i32>} : memref<2048xf32, #tpu.memory_space<vmem>>, vector<16xf32>,
      %get3A_367 = vector.shape_cast %get3A_366 : vector<16xf32> to vector<16xf32>
      %gt3A_368 = arith.cmpf ogt, %get3A_367, %scan3A_291 : vector<16xf32>
      %select_n3A_369 = arith.select %gt3A_368, %get3A_367, %scan3A_291 : vector<16xi1>, vector<16xf32>
      %add3A_370 = vector.broadcast %add3A_364 : i32 to vector<16xi32>
      %add3A_371 = arith.addi %add3A_370, %iota3A : vector<16xi32>
      %select_n3A_372 = arith.select %gt3A_368, %add3A_371, %scan3A_299 : vector<16xi1>, vector<16xi32>
      %mul3A_373 = arith.constant 128 : i32
      %mul3A_374 = arith.muli %scan3A_285, %mul3A_373 : i32
      %add3A_375 = arith.constant 96 : i32
      %add3A_376 = arith.addi %mul3A_374, %add3A_375 : i32
      %get3A_377 = arith.index_cast %add3A_376 : i32 to index
      %get3A_378 = tpu.vector_load %arg4[%get3A_377] {strides = array<i32>} : memref<2048xf32, #tpu.memory_space<vmem>>, vector<16xf32>,
      %get3A_379 = vector.shape_cast %get3A_378 : vector<16xf32> to vector<16xf32>
      %gt3A_380 = arith.cmpf ogt, %get3A_379, %scan3A_292 : vector<16xf32>
      %select_n3A_381 = arith.select %gt3A_380, %get3A_379, %scan3A_292 : vector<16xi1>, vector<16xf32>
      %add3A_382 = vector.broadcast %add3A_376 : i32 to vector<16xi32>
      %add3A_383 = arith.addi %add3A_382, %iota3A : vector<16xi32>
      %select_n3A_384 = arith.select %gt3A_380, %add3A_383, %scan3A_300 : vector<16xi1>, vector<16xi32>
      %mul3A_385 = arith.constant 128 : i32
      %mul3A_386 = arith.muli %scan3A_285, %mul3A_385 : i32
      %add3A_387 = arith.constant 112 : i32
      %add3A_388 = arith.addi %mul3A_386, %add3A_387 : i32
      %get3A_389 = arith.index_cast %add3A_388 : i32 to index
      %get3A_390 = tpu.vector_load %arg4[%get3A_389] {strides = array<i32>} : memref<2048xf32, #tpu.memory_space<vmem>>, vector<16xf32>,
      %get3A_391 = vector.shape_cast %get3A_390 : vector<16xf32> to vector<16xf32>
      %gt3A_392 = arith.cmpf ogt, %get3A_391, %scan3A_293 : vector<16xf32>
      %select_n3A_393 = arith.select %gt3A_392, %get3A_391, %scan3A_293 : vector<16xi1>, vector<16xf32>
      %add3A_394 = vector.broadcast %add3A_388 : i32 to vector<16xi32>
      %add3A_395 = arith.addi %add3A_394, %iota3A : vector<16xi32>
      %select_n3A_396 = arith.select %gt3A_392, %add3A_395, %scan3A_301 : vector<16xi1>, vector<16xi32>
      scf.yield %select_n3A_309, %select_n3A_321, %select_n3A_333, %select_n3A_345, %select_n3A_357, %select_n3A_369, %select_n3A_381, %select_n3A_393, %select_n3A_312, %select_n3A_324, %select_n3A_336, %select_n3A_348, %select_n3A_360, %select_n3A_372, %select_n3A_384, %select_n3A_396 : vector<16xf32>, vector<16xf32>, vector<16xf32>, vector<16xf32>, vector<16xf32>, vector<16xf32>, vector<16xf32>, vector<16xf32>, vector<16xi32>, vector<16xi32>, vector<16xi32>, vector<16xi32>, vector<16xi32>, vector<16xi32>, vector<16xi32>, vector<16xi32>
    }
    %scan3A_46 = arith.constant 16 : i32
    %gt3A = arith.cmpf ogt, %scan3A_45#1, %scan3A_45#0 : vector<16xf32>
    %eq3A = arith.cmpf oeq, %scan3A_45#1, %scan3A_45#0 : vector<16xf32>
    %lt3A = arith.cmpi slt, %scan3A_45#9, %scan3A_45#8 : vector<16xi32>
    %and3A = arith.andi %eq3A, %lt3A : vector<16xi1>
    %or3A = arith.ori %gt3A, %and3A : vector<16xi1>
    %select_n3A = arith.select %or3A, %scan3A_45#1, %scan3A_45#0 : vector<16xi1>, vector<16xf32>
    %select_n3A_47 = arith.select %or3A, %scan3A_45#9, %scan3A_45#8 : vector<16xi1>, vector<16xi32>
    %gt3A_48 = arith.cmpf ogt, %scan3A_45#2, %select_n3A : vector<16xf32>
    %eq3A_49 = arith.cmpf oeq, %scan3A_45#2, %select_n3A : vector<16xf32>
    %lt3A_50 = arith.cmpi slt, %scan3A_45#10, %select_n3A_47 : vector<16xi32>
    %and3A_51 = arith.andi %eq3A_49, %lt3A_50 : vector<16xi1>
    %or3A_52 = arith.ori %gt3A_48, %and3A_51 : vector<16xi1>
    %select_n3A_53 = arith.select %or3A_52, %scan3A_45#2, %select_n3A : vector<16xi1>, vector<16xf32>
    %select_n3A_54 = arith.select %or3A_52, %scan3A_45#10, %select_n3A_47 : vector<16xi1>, vector<16xi32>
    %gt3A_55 = arith.cmpf ogt, %scan3A_45#3, %select_n3A_53 : vector<16xf32>
    %eq3A_56 = arith.cmpf oeq, %scan3A_45#3, %select_n3A_53 : vector<16xf32>
    %lt3A_57 = arith.cmpi slt, %scan3A_45#11, %select_n3A_54 : vector<16xi32>
    %and3A_58 = arith.andi %eq3A_56, %lt3A_57 : vector<16xi1>
    %or3A_59 = arith.ori %gt3A_55, %and3A_58 : vector<16xi1>
    %select_n3A_60 = arith.select %or3A_59, %scan3A_45#3, %select_n3A_53 : vector<16xi1>, vector<16xf32>
    %select_n3A_61 = arith.select %or3A_59, %scan3A_45#11, %select_n3A_54 : vector<16xi1>, vector<16xi32>
    %gt3A_62 = arith.cmpf ogt, %scan3A_45#4, %select_n3A_60 : vector<16xf32>
    %eq3A_63 = arith.cmpf oeq, %scan3A_45#4, %select_n3A_60 : vector<16xf32>
    %lt3A_64 = arith.cmpi slt, %scan3A_45#12, %select_n3A_61 : vector<16xi32>
    %and3A_65 = arith.andi %eq3A_63, %lt3A_64 : vector<16xi1>
    %or3A_66 = arith.ori %gt3A_62, %and3A_65 : vector<16xi1>
    %select_n3A_67 = arith.select %or3A_66, %scan3A_45#4, %select_n3A_60 : vector<16xi1>, vector<16xf32>
    %select_n3A_68 = arith.select %or3A_66, %scan3A_45#12, %select_n3A_61 : vector<16xi1>, vector<16xi32>
    %gt3A_69 = arith.cmpf ogt, %scan3A_45#5, %select_n3A_67 : vector<16xf32>
    %eq3A_70 = arith.cmpf oeq, %scan3A_45#5, %select_n3A_67 : vector<16xf32>
    %lt3A_71 = arith.cmpi slt, %scan3A_45#13, %select_n3A_68 : vector<16xi32>
    %and3A_72 = arith.andi %eq3A_70, %lt3A_71 : vector<16xi1>
    %or3A_73 = arith.ori %gt3A_69, %and3A_72 : vector<16xi1>
    %select_n3A_74 = arith.select %or3A_73, %scan3A_45#5, %select_n3A_67 : vector<16xi1>, vector<16xf32>
    %select_n3A_75 = arith.select %or3A_73, %scan3A_45#13, %select_n3A_68 : vector<16xi1>, vector<16xi32>
    %gt3A_76 = arith.cmpf ogt, %scan3A_45#6, %select_n3A_74 : vector<16xf32>
    %eq3A_77 = arith.cmpf oeq, %scan3A_45#6, %select_n3A_74 : vector<16xf32>
    %lt3A_78 = arith.cmpi slt, %scan3A_45#14, %select_n3A_75 : vector<16xi32>
    %and3A_79 = arith.andi %eq3A_77, %lt3A_78 : vector<16xi1>
    %or3A_80 = arith.ori %gt3A_76, %and3A_79 : vector<16xi1>
    %select_n3A_81 = arith.select %or3A_80, %scan3A_45#6, %select_n3A_74 : vector<16xi1>, vector<16xf32>
    %select_n3A_82 = arith.select %or3A_80, %scan3A_45#14, %select_n3A_75 : vector<16xi1>, vector<16xi32>
    %gt3A_83 = arith.cmpf ogt, %scan3A_45#7, %select_n3A_81 : vector<16xf32>
    %eq3A_84 = arith.cmpf oeq, %scan3A_45#7, %select_n3A_81 : vector<16xf32>
    %lt3A_85 = arith.cmpi slt, %scan3A_45#15, %select_n3A_82 : vector<16xi32>
    %and3A_86 = arith.andi %eq3A_84, %lt3A_85 : vector<16xi1>
    %or3A_87 = arith.ori %gt3A_83, %and3A_86 : vector<16xi1>
    %select_n3A_88 = arith.select %or3A_87, %scan3A_45#7, %select_n3A_81 : vector<16xi1>, vector<16xf32>
    %select_n3A_89 = arith.select %or3A_87, %scan3A_45#15, %select_n3A_82 : vector<16xi1>, vector<16xi32>
    %slice3A = vector.extract_strided_slice %select_n3A_88 {offsets = [0], sizes = [1], strides = [1]} : vector<16xf32> to vector<1xf32>
    %squeeze3A = vector.extract %slice3A[0] : f32 from vector<1xf32>
    %slice3A_90 = vector.extract_strided_slice %select_n3A_89 {offsets = [0], sizes = [1], strides = [1]} : vector<16xi32> to vector<1xi32>
    %squeeze3A_91 = vector.extract %slice3A_90[0] : i32 from vector<1xi32>
    %slice3A_92 = vector.extract_strided_slice %select_n3A_88 {offsets = [1], sizes = [1], strides = [1]} : vector<16xf32> to vector<1xf32>
    %squeeze3A_93 = vector.extract %slice3A_92[0] : f32 from vector<1xf32>
    %slice3A_94 = vector.extract_strided_slice %select_n3A_89 {offsets = [1], sizes = [1], strides = [1]} : vector<16xi32> to vector<1xi32>
    %squeeze3A_95 = vector.extract %slice3A_94[0] : i32 from vector<1xi32>
    %gt3A_96 = arith.cmpf ogt, %squeeze3A_93, %squeeze3A : f32
    %eq3A_97 = arith.cmpf oeq, %squeeze3A_93, %squeeze3A : f32
    %lt3A_98 = arith.cmpi slt, %squeeze3A_95, %squeeze3A_91 : i32
    %and3A_99 = arith.andi %eq3A_97, %lt3A_98 : i1
    %or3A_100 = arith.ori %gt3A_96, %and3A_99 : i1
    %select_n3A_101 = arith.select %or3A_100, %squeeze3A_93, %squeeze3A : f32
    %select_n3A_102 = arith.select %or3A_100, %squeeze3A_95, %squeeze3A_91 : i32
    %slice3A_103 = vector.extract_strided_slice %select_n3A_88 {offsets = [2], sizes = [1], strides = [1]} : vector<16xf32> to vector<1xf32>
    %squeeze3A_104 = vector.extract %slice3A_103[0] : f32 from vector<1xf32>
    %slice3A_105 = vector.extract_strided_slice %select_n3A_89 {offsets = [2], sizes = [1], strides = [1]} : vector<16xi32> to vector<1xi32>
    %squeeze3A_106 = vector.extract %slice3A_105[0] : i32 from vector<1xi32>
    %gt3A_107 = arith.cmpf ogt, %squeeze3A_104, %select_n3A_101 : f32
    %eq3A_108 = arith.cmpf oeq, %squeeze3A_104, %select_n3A_101 : f32
    %lt3A_109 = arith.cmpi slt, %squeeze3A_106, %select_n3A_102 : i32
    %and3A_110 = arith.andi %eq3A_108, %lt3A_109 : i1
    %or3A_111 = arith.ori %gt3A_107, %and3A_110 : i1
    %select_n3A_112 = arith.select %or3A_111, %squeeze3A_104, %select_n3A_101 : f32
    %select_n3A_113 = arith.select %or3A_111, %squeeze3A_106, %select_n3A_102 : i32
    %slice3A_114 = vector.extract_strided_slice %select_n3A_88 {offsets = [3], sizes = [1], strides = [1]} : vector<16xf32> to vector<1xf32>
    %squeeze3A_115 = vector.extract %slice3A_114[0] : f32 from vector<1xf32>
    %slice3A_116 = vector.extract_strided_slice %select_n3A_89 {offsets = [3], sizes = [1], strides = [1]} : vector<16xi32> to vector<1xi32>
    %squeeze3A_117 = vector.extract %slice3A_116[0] : i32 from vector<1xi32>
    %gt3A_118 = arith.cmpf ogt, %squeeze3A_115, %select_n3A_112 : f32
    %eq3A_119 = arith.cmpf oeq, %squeeze3A_115, %select_n3A_112 : f32
    %lt3A_120 = arith.cmpi slt, %squeeze3A_117, %select_n3A_113 : i32
    %and3A_121 = arith.andi %eq3A_119, %lt3A_120 : i1
    %or3A_122 = arith.ori %gt3A_118, %and3A_121 : i1
    %select_n3A_123 = arith.select %or3A_122, %squeeze3A_115, %select_n3A_112 : f32
    %select_n3A_124 = arith.select %or3A_122, %squeeze3A_117, %select_n3A_113 : i32
    %slice3A_125 = vector.extract_strided_slice %select_n3A_88 {offsets = [4], sizes = [1], strides = [1]} : vector<16xf32> to vector<1xf32>
    %squeeze3A_126 = vector.extract %slice3A_125[0] : f32 from vector<1xf32>
    %slice3A_127 = vector.extract_strided_slice %select_n3A_89 {offsets = [4], sizes = [1], strides = [1]} : vector<16xi32> to vector<1xi32>
    %squeeze3A_128 = vector.extract %slice3A_127[0] : i32 from vector<1xi32>
    %gt3A_129 = arith.cmpf ogt, %squeeze3A_126, %select_n3A_123 : f32
    %eq3A_130 = arith.cmpf oeq, %squeeze3A_126, %select_n3A_123 : f32
    %lt3A_131 = arith.cmpi slt, %squeeze3A_128, %select_n3A_124 : i32
    %and3A_132 = arith.andi %eq3A_130, %lt3A_131 : i1
    %or3A_133 = arith.ori %gt3A_129, %and3A_132 : i1
    %select_n3A_134 = arith.select %or3A_133, %squeeze3A_126, %select_n3A_123 : f32
    %select_n3A_135 = arith.select %or3A_133, %squeeze3A_128, %select_n3A_124 : i32
    %slice3A_136 = vector.extract_strided_slice %select_n3A_88 {offsets = [5], sizes = [1], strides = [1]} : vector<16xf32> to vector<1xf32>
    %squeeze3A_137 = vector.extract %slice3A_136[0] : f32 from vector<1xf32>
    %slice3A_138 = vector.extract_strided_slice %select_n3A_89 {offsets = [5], sizes = [1], strides = [1]} : vector<16xi32> to vector<1xi32>
    %squeeze3A_139 = vector.extract %slice3A_138[0] : i32 from vector<1xi32>
    %gt3A_140 = arith.cmpf ogt, %squeeze3A_137, %select_n3A_134 : f32
    %eq3A_141 = arith.cmpf oeq, %squeeze3A_137, %select_n3A_134 : f32
    %lt3A_142 = arith.cmpi slt, %squeeze3A_139, %select_n3A_135 : i32
    %and3A_143 = arith.andi %eq3A_141, %lt3A_142 : i1
    %or3A_144 = arith.ori %gt3A_140, %and3A_143 : i1
    %select_n3A_145 = arith.select %or3A_144, %squeeze3A_137, %select_n3A_134 : f32
    %select_n3A_146 = arith.select %or3A_144, %squeeze3A_139, %select_n3A_135 : i32
    %slice3A_147 = vector.extract_strided_slice %select_n3A_88 {offsets = [6], sizes = [1], strides = [1]} : vector<16xf32> to vector<1xf32>
    %squeeze3A_148 = vector.extract %slice3A_147[0] : f32 from vector<1xf32>
    %slice3A_149 = vector.extract_strided_slice %select_n3A_89 {offsets = [6], sizes = [1], strides = [1]} : vector<16xi32> to vector<1xi32>
    %squeeze3A_150 = vector.extract %slice3A_149[0] : i32 from vector<1xi32>
    %gt3A_151 = arith.cmpf ogt, %squeeze3A_148, %select_n3A_145 : f32
    %eq3A_152 = arith.cmpf oeq, %squeeze3A_148, %select_n3A_145 : f32
    %lt3A_153 = arith.cmpi slt, %squeeze3A_150, %select_n3A_146 : i32
    %and3A_154 = arith.andi %eq3A_152, %lt3A_153 : i1
    %or3A_155 = arith.ori %gt3A_151, %and3A_154 : i1
    %select_n3A_156 = arith.select %or3A_155, %squeeze3A_148, %select_n3A_145 : f32
    %select_n3A_157 = arith.select %or3A_155, %squeeze3A_150, %select_n3A_146 : i32
    %slice3A_158 = vector.extract_strided_slice %select_n3A_88 {offsets = [7], sizes = [1], strides = [1]} : vector<16xf32> to vector<1xf32>
    %squeeze3A_159 = vector.extract %slice3A_158[0] : f32 from vector<1xf32>
    %slice3A_160 = vector.extract_strided_slice %select_n3A_89 {offsets = [7], sizes = [1], strides = [1]} : vector<16xi32> to vector<1xi32>
    %squeeze3A_161 = vector.extract %slice3A_160[0] : i32 from vector<1xi32>
    %gt3A_162 = arith.cmpf ogt, %squeeze3A_159, %select_n3A_156 : f32
    %eq3A_163 = arith.cmpf oeq, %squeeze3A_159, %select_n3A_156 : f32
    %lt3A_164 = arith.cmpi slt, %squeeze3A_161, %select_n3A_157 : i32
    %and3A_165 = arith.andi %eq3A_163, %lt3A_164 : i1
    %or3A_166 = arith.ori %gt3A_162, %and3A_165 : i1
    %select_n3A_167 = arith.select %or3A_166, %squeeze3A_159, %select_n3A_156 : f32
    %select_n3A_168 = arith.select %or3A_166, %squeeze3A_161, %select_n3A_157 : i32
    %slice3A_169 = vector.extract_strided_slice %select_n3A_88 {offsets = [8], sizes = [1], strides = [1]} : vector<16xf32> to vector<1xf32>
    %squeeze3A_170 = vector.extract %slice3A_169[0] : f32 from vector<1xf32>
    %slice3A_171 = vector.extract_strided_slice %select_n3A_89 {offsets = [8], sizes = [1], strides = [1]} : vector<16xi32> to vector<1xi32>
    %squeeze3A_172 = vector.extract %slice3A_171[0] : i32 from vector<1xi32>
    %gt3A_173 = arith.cmpf ogt, %squeeze3A_170, %select_n3A_167 : f32
    %eq3A_174 = arith.cmpf oeq, %squeeze3A_170, %select_n3A_167 : f32
    %lt3A_175 = arith.cmpi slt, %squeeze3A_172, %select_n3A_168 : i32
    %and3A_176 = arith.andi %eq3A_174, %lt3A_175 : i1
    %or3A_177 = arith.ori %gt3A_173, %and3A_176 : i1
    %select_n3A_178 = arith.select %or3A_177, %squeeze3A_170, %select_n3A_167 : f32
    %select_n3A_179 = arith.select %or3A_177, %squeeze3A_172, %select_n3A_168 : i32
    %slice3A_180 = vector.extract_strided_slice %select_n3A_88 {offsets = [9], sizes = [1], strides = [1]} : vector<16xf32> to vector<1xf32>
    %squeeze3A_181 = vector.extract %slice3A_180[0] : f32 from vector<1xf32>
    %slice3A_182 = vector.extract_strided_slice %select_n3A_89 {offsets = [9], sizes = [1], strides = [1]} : vector<16xi32> to vector<1xi32>
    %squeeze3A_183 = vector.extract %slice3A_182[0] : i32 from vector<1xi32>
    %gt3A_184 = arith.cmpf ogt, %squeeze3A_181, %select_n3A_178 : f32
    %eq3A_185 = arith.cmpf oeq, %squeeze3A_181, %select_n3A_178 : f32
    %lt3A_186 = arith.cmpi slt, %squeeze3A_183, %select_n3A_179 : i32
    %and3A_187 = arith.andi %eq3A_185, %lt3A_186 : i1
    %or3A_188 = arith.ori %gt3A_184, %and3A_187 : i1
    %select_n3A_189 = arith.select %or3A_188, %squeeze3A_181, %select_n3A_178 : f32
    %select_n3A_190 = arith.select %or3A_188, %squeeze3A_183, %select_n3A_179 : i32
    %slice3A_191 = vector.extract_strided_slice %select_n3A_88 {offsets = [10], sizes = [1], strides = [1]} : vector<16xf32> to vector<1xf32>
    %squeeze3A_192 = vector.extract %slice3A_191[0] : f32 from vector<1xf32>
    %slice3A_193 = vector.extract_strided_slice %select_n3A_89 {offsets = [10], sizes = [1], strides = [1]} : vector<16xi32> to vector<1xi32>
    %squeeze3A_194 = vector.extract %slice3A_193[0] : i32 from vector<1xi32>
    %gt3A_195 = arith.cmpf ogt, %squeeze3A_192, %select_n3A_189 : f32
    %eq3A_196 = arith.cmpf oeq, %squeeze3A_192, %select_n3A_189 : f32
    %lt3A_197 = arith.cmpi slt, %squeeze3A_194, %select_n3A_190 : i32
    %and3A_198 = arith.andi %eq3A_196, %lt3A_197 : i1
    %or3A_199 = arith.ori %gt3A_195, %and3A_198 : i1
    %select_n3A_200 = arith.select %or3A_199, %squeeze3A_192, %select_n3A_189 : f32
    %select_n3A_201 = arith.select %or3A_199, %squeeze3A_194, %select_n3A_190 : i32
    %slice3A_202 = vector.extract_strided_slice %select_n3A_88 {offsets = [11], sizes = [1], strides = [1]} : vector<16xf32> to vector<1xf32>
    %squeeze3A_203 = vector.extract %slice3A_202[0] : f32 from vector<1xf32>
    %slice3A_204 = vector.extract_strided_slice %select_n3A_89 {offsets = [11], sizes = [1], strides = [1]} : vector<16xi32> to vector<1xi32>
    %squeeze3A_205 = vector.extract %slice3A_204[0] : i32 from vector<1xi32>
    %gt3A_206 = arith.cmpf ogt, %squeeze3A_203, %select_n3A_200 : f32
    %eq3A_207 = arith.cmpf oeq, %squeeze3A_203, %select_n3A_200 : f32
    %lt3A_208 = arith.cmpi slt, %squeeze3A_205, %select_n3A_201 : i32
    %and3A_209 = arith.andi %eq3A_207, %lt3A_208 : i1
    %or3A_210 = arith.ori %gt3A_206, %and3A_209 : i1
    %select_n3A_211 = arith.select %or3A_210, %squeeze3A_203, %select_n3A_200 : f32
    %select_n3A_212 = arith.select %or3A_210, %squeeze3A_205, %select_n3A_201 : i32
    %slice3A_213 = vector.extract_strided_slice %select_n3A_88 {offsets = [12], sizes = [1], strides = [1]} : vector<16xf32> to vector<1xf32>
    %squeeze3A_214 = vector.extract %slice3A_213[0] : f32 from vector<1xf32>
    %slice3A_215 = vector.extract_strided_slice %select_n3A_89 {offsets = [12], sizes = [1], strides = [1]} : vector<16xi32> to vector<1xi32>
    %squeeze3A_216 = vector.extract %slice3A_215[0] : i32 from vector<1xi32>
    %gt3A_217 = arith.cmpf ogt, %squeeze3A_214, %select_n3A_211 : f32
    %eq3A_218 = arith.cmpf oeq, %squeeze3A_214, %select_n3A_211 : f32
    %lt3A_219 = arith.cmpi slt, %squeeze3A_216, %select_n3A_212 : i32
    %and3A_220 = arith.andi %eq3A_218, %lt3A_219 : i1
    %or3A_221 = arith.ori %gt3A_217, %and3A_220 : i1
    %select_n3A_222 = arith.select %or3A_221, %squeeze3A_214, %select_n3A_211 : f32
    %select_n3A_223 = arith.select %or3A_221, %squeeze3A_216, %select_n3A_212 : i32
    %slice3A_224 = vector.extract_strided_slice %select_n3A_88 {offsets = [13], sizes = [1], strides = [1]} : vector<16xf32> to vector<1xf32>
    %squeeze3A_225 = vector.extract %slice3A_224[0] : f32 from vector<1xf32>
    %slice3A_226 = vector.extract_strided_slice %select_n3A_89 {offsets = [13], sizes = [1], strides = [1]} : vector<16xi32> to vector<1xi32>
    %squeeze3A_227 = vector.extract %slice3A_226[0] : i32 from vector<1xi32>
    %gt3A_228 = arith.cmpf ogt, %squeeze3A_225, %select_n3A_222 : f32
    %eq3A_229 = arith.cmpf oeq, %squeeze3A_225, %select_n3A_222 : f32
    %lt3A_230 = arith.cmpi slt, %squeeze3A_227, %select_n3A_223 : i32
    %and3A_231 = arith.andi %eq3A_229, %lt3A_230 : i1
    %or3A_232 = arith.ori %gt3A_228, %and3A_231 : i1
    %select_n3A_233 = arith.select %or3A_232, %squeeze3A_225, %select_n3A_222 : f32
    %select_n3A_234 = arith.select %or3A_232, %squeeze3A_227, %select_n3A_223 : i32
    %slice3A_235 = vector.extract_strided_slice %select_n3A_88 {offsets = [14], sizes = [1], strides = [1]} : vector<16xf32> to vector<1xf32>
    %squeeze3A_236 = vector.extract %slice3A_235[0] : f32 from vector<1xf32>
    %slice3A_237 = vector.extract_strided_slice %select_n3A_89 {offsets = [14], sizes = [1], strides = [1]} : vector<16xi32> to vector<1xi32>
    %squeeze3A_238 = vector.extract %slice3A_237[0] : i32 from vector<1xi32>
    %gt3A_239 = arith.cmpf ogt, %squeeze3A_236, %select_n3A_233 : f32
    %eq3A_240 = arith.cmpf oeq, %squeeze3A_236, %select_n3A_233 : f32
    %lt3A_241 = arith.cmpi slt, %squeeze3A_238, %select_n3A_234 : i32
    %and3A_242 = arith.andi %eq3A_240, %lt3A_241 : i1
    %or3A_243 = arith.ori %gt3A_239, %and3A_242 : i1
    %select_n3A_244 = arith.select %or3A_243, %squeeze3A_236, %select_n3A_233 : f32
    %select_n3A_245 = arith.select %or3A_243, %squeeze3A_238, %select_n3A_234 : i32
    %slice3A_246 = vector.extract_strided_slice %select_n3A_88 {offsets = [15], sizes = [1], strides = [1]} : vector<16xf32> to vector<1xf32>
    %squeeze3A_247 = vector.extract %slice3A_246[0] : f32 from vector<1xf32>
    %slice3A_248 = vector.extract_strided_slice %select_n3A_89 {offsets = [15], sizes = [1], strides = [1]} : vector<16xi32> to vector<1xi32>
    %squeeze3A_249 = vector.extract %slice3A_248[0] : i32 from vector<1xi32>
    %gt3A_250 = arith.cmpf ogt, %squeeze3A_247, %select_n3A_244 : f32
    %eq3A_251 = arith.cmpf oeq, %squeeze3A_247, %select_n3A_244 : f32
    %lt3A_252 = arith.cmpi slt, %squeeze3A_249, %select_n3A_245 : i32
    %and3A_253 = arith.andi %eq3A_251, %lt3A_252 : i1
    %or3A_254 = arith.ori %gt3A_250, %and3A_253 : i1
    %select_n3A_255 = arith.select %or3A_254, %squeeze3A_247, %select_n3A_244 : f32
    %select_n3A_256 = arith.select %or3A_254, %squeeze3A_249, %select_n3A_245 : i32
    %jit3A = arith.constant 16 : i32
    %eq3A_257 = arith.constant 0 : i32
    %eq3A_258 = arith.cmpi eq, %jit3A, %eq3A_257 : i32
    %jit3A_259 = arith.constant 1 : i32
    %select_n3A_260 = arith.select %eq3A_258, %jit3A_259, %jit3A : i32
    %rem3A = arith.remsi %select_n3A_256, %select_n3A_260 : i32
    %ne3A = arith.constant 0 : i32
    %ne3A_261 = arith.cmpi ne, %rem3A, %ne3A : i32
    %lt3A_262 = arith.constant 0 : i32
    %lt3A_263 = arith.cmpi slt, %rem3A, %lt3A_262 : i32
    %lt3A_264 = arith.constant 0 : i32
    %lt3A_265 = arith.cmpi slt, %select_n3A_260, %lt3A_264 : i32
    %ne3A_266 = arith.xori %lt3A_263, %lt3A_265 : i1
    %and3A_267 = arith.andi %ne3A_266, %ne3A_261 : i1
    %add3A = arith.addi %rem3A, %select_n3A_260 : i32
    %select_n3A_268 = arith.select %and3A_267, %add3A, %rem3A : i32
    %sub3A = arith.subi %select_n3A_256, %select_n3A_268 : i32
    %sub3A_269 = arith.subi %select_n3A_256, %sub3A : i32
    %eq3A_270 = vector.broadcast %sub3A_269 : i32 to vector<16xi32>
    %eq3A_271 = arith.cmpi eq, %iota3A, %eq3A_270 : vector<16xi32>
    %jit3A_272 = arith.constant 1.000000e+00 : f32
    %jit3A_273 = arith.constant 0.000000e+00 : f32
    %broadcast_in_dim3A_274 = vector.broadcast %jit3A_272 : f32 to vector<16xf32>
    %broadcast_in_dim3A_275 = vector.broadcast %jit3A_273 : f32 to vector<16xf32>
    %select_n3A_276 = arith.select %eq3A_271, %broadcast_in_dim3A_274, %broadcast_in_dim3A_275 : vector<16xi1>, vector<16xf32>
    %swap3A = arith.constant 0 : index
    %swap3A_277 = tpu.vector_load %arg6[%swap3A] {strides = array<i32>} : memref<16xf32, #tpu.memory_space<vmem>>, vector<16xf32>,
    %swap3A_278 = vector.shape_cast %swap3A_277 : vector<16xf32> to vector<16xf32>
    %swap3A_279 = vector.shape_cast %select_n3A_276 : vector<16xf32> to vector<16xf32>
    tpu.vector_store %arg6[%swap3A], %swap3A_279 {strides = array<i32>} : memref<16xf32, #tpu.memory_space<vmem>>, vector<16xf32>,
    %dma_wait3A_280 = tpu.memref_slice %arg3[%mul3A_6] : memref<32768xf32, #tpu.memory_space<hbm>> -> memref<2048xf32, #tpu.memory_space<hbm>>
    %dma_wait3A_281 = tpu.memref_slice %arg3[%mul3A_6] : memref<32768xf32, #tpu.memory_space<hbm>> -> memref<2048xf32, #tpu.memory_space<hbm>>
    tpu.wait_dma2 semaphore(%arg8 : memref<!tpu.dma_semaphore, #tpu.memory_space<semaphore_mem>>) src(%arg5 : memref<2048xf32, #tpu.memory_space<vmem>>) dst(%dma_wait3A_281 : memref<2048xf32, #tpu.memory_space<hbm>>)
    %mul3A_282 = arith.constant 2048 : i32
    %mul3A_283 = arith.muli %arg1, %mul3A_282 : i32
    %add3A_284 = arith.addi %mul3A_283, %sub3A : i32
    %multiple_of3A = tpu.assume_multiple %add3A_284, 16 : i32
    "tpu.region"() ({
      %run_scoped3A = tpu.sem_alloc : memref<!tpu.dma_semaphore, #tpu.memory_space<semaphore_mem>>
      %dma_start3A_285 = tpu.memref_slice %arg3[%multiple_of3A] : memref<32768xf32, #tpu.memory_space<hbm>> -> memref<16xf32, #tpu.memory_space<hbm>>
      %dma_start3A_286 = tpu.memref_slice %arg3[%multiple_of3A] : memref<32768xf32, #tpu.memory_space<hbm>> -> memref<16xf32, #tpu.memory_space<hbm>>
      tpu.enqueue_dma source(%arg6 : memref<16xf32, #tpu.memory_space<vmem>>) target(%dma_start3A_286 : memref<16xf32, #tpu.memory_space<hbm>>) target_semaphore(%run_scoped3A : memref<!tpu.dma_semaphore, #tpu.memory_space<semaphore_mem>>)
      %dma_wait3A_287 = tpu.memref_slice %arg3[%multiple_of3A] : memref<32768xf32, #tpu.memory_space<hbm>> -> memref<16xf32, #tpu.memory_space<hbm>>
      %dma_wait3A_288 = tpu.memref_slice %arg3[%multiple_of3A] : memref<32768xf32, #tpu.memory_space<hbm>> -> memref<16xf32, #tpu.memory_space<hbm>>
      tpu.wait_dma2 semaphore(%run_scoped3A : memref<!tpu.dma_semaphore, #tpu.memory_space<semaphore_mem>>) src(%arg6 : memref<16xf32, #tpu.memory_space<vmem>>) dst(%dma_wait3A_288 : memref<16xf32, #tpu.memory_space<hbm>>)
      tpu.yield
    }) : () -> ()
    return
  }
}

</mosaic_0001>

<sc_bundles>
// kernel: kernel.3.cloned.1.call-start
scs
__scs_entry_jumppad:
0x0: {  	(pc) =	sbr.rel $0x88, $3  }
0x1: {  	(tag) =	ssettag $0x0;
	lr =	simm.s32 $0x1  }
0x2: {  	[smem:$0x3FA0] =	sst lr;
	_ =	strace $0xD0000000  }
0x3: {  	_ = 	snop  }
0x4: {  	_ = 	snop  }
0x5: {  	_ = 	snop  }
0x6: {  	_ = 	snop  }
0x7: {  	_ = 	snop  }
__scs_overlays_trampoline_lowered:
0x8: {  	[smem:$0x3FAF] =	sst s0  }
0x9: {  	[smem:$0x3FB0] =	sst s1  }
0xa: {  	[smem:$0x3FB1] =	sst s2  }
0xb: {  	[smem:$0x3FB2] =	sst s3  }
0xc: {  	[smem:$0x3FB3] =	sst s4  }
0xd: {  	[smem:$0x3FB4] =	sst s5  }
0xe: {  	[smem:$0x3FB5] =	sst s6  }
0xf: {  	[smem:$0x3FB6] =	sst s7  }
0x10: {  	[smem:$0x3FB7] =	sst s8  }
0x11: {  	[smem:$0x3FB8] =	sst s9;
	s0 =	simm.s32 @!p0 $0x0  }
0x12: {  	s1 =	sld [smem:$0x3F9E];
	s0 =	simm.s32 @p0 $0x1  }
0x13: {  	[smem:$0x3FB9] =	sst s0;
	s0 =	simm.s32 @!p1 $0x0  }
0x14: {  	s2 =	sld [smem:$0x3F9D];
	s0 =	simm.s32 @p1 $0x1  }
0x15: {  	[smem:$0x3FBA] =	sst s0;
	s0 =	simm.s32 @!p2 $0x0  }
0x16: {  	s3 =	sld [smem:$0x3FDB];
	s0 =	simm.s32 @p2 $0x1  }
0x17: {  	s4 =	simm.s32 $0x1BF5;
	[smem:$0x3FBC] =	sst s0  }
0x18: {  	s0 =	sld [smem:$0x3F9F];
	_ =	swait.ge [sflag:s4], $0x0  }
0x19: {  	s7 =	sld [smem:$0x3FA0]  }
0x1a: {  	s8 =	sadd.s32 $0xFFFFE003, lr  }
0x1b: {  	s9 =	sadd.s32 $0xFFFFFEF7, lr;
	s5 =	simm.s32 $0xFFFFFFFF;
	p2 =	slt.u32 s8, $0xFFFFF086  }
0x1c: {  	p1 =	slt.u32 s9, $0xF7A;
	s5 =	simm.s32 @!p2 $0x0  }
0x1d: {  	s5 =	simm.s32 @p1 $0x1;
	p0 =	seq.s32 s7, s2  }
0x1e: {  	s7 =	smul.u32 @!p0 $0xF7A, s2;
	p2 =	seq.s32 @!p0 s5, $0x0  }
0x1f: {  	s9 =	smul.u32 $0xF7A, s1;
	s8 =	simm.s32 @!p0 $0x1BF5;
	p2 =	por !p2, p0  }
0x20: {  	[sflag:s8] =	ssyncset.s32 @!p0 $0xFFFFF086;
	s6 =	sadd.s32 @!p0 s3, s7;
	s7 =	simm.s32 @!p0 $0x108  }
0x21: {  	s3 =	sadd.s32 s3, s9;
	s6 =	sadd.s32 @!p0 $0x88, s6;
	s7 =	simm.s32 @p2 $0x1082  }
0x22: {  	[simem:s7], [sflag:s8] =	dma.local @!p0 [hbm:s6], $0xF7A  }
0x23: {  	s9 =	sor.u32 $0xD0000000, s2;
	s6 =	simm.s32 $0x108;
	_ =	swait.ge @!p0 [sflag:s8], $0x0  }
0x24: {  	s3 =	sadd.s32 $0x88, s3;
	s6 =	simm.s32 @!p1 $0x1082;
	[sflag:s4] =	ssyncset.s32 $0xFFFFF086  }
0x25: {  	[simem:s6], [sflag:s4] =	dma.local [hbm:s3], $0xF7A  }
0x26: {  	[smem:$0x3FA0] =	sst s1;
	(tag) =	ssettag s2;
	_ =	strace s9  }
0x27: {  	s1 =	sld [smem:$0x3FB0]  }
0x28: {  	s2 =	sld [smem:$0x3FB1]  }
0x29: {  	s4 =	sld [smem:$0x3FB3]  }
0x2a: {  	p0 =	seq.s32 s5, $0x0;
	s5 =	sld [smem:$0x3FB4]  }
0x2b: {  	s6 =	sld [smem:$0x3FB5]  }
0x2c: {  	s7 =	sld [smem:$0x3FB6]  }
0x2d: {  	s3 =	simm.s32 $0x108;
	s8 =	sld [smem:$0x3FB7]  }
0x2e: {  	s3 =	simm.s32 @!p0 $0x1082;
	s9 =	sld [smem:$0x3FB8]  }
0x2f: {  	lr =	sadd.s32 s0, s3;
	s0 =	sld [smem:$0x3FAF]  }
0x30: {  	s3 =	sld [smem:$0x3FB2]  }
0x31: {  	[smem:$0x3FBB] =	sst s10  }
0x32: {  	s10 =	sld [smem:$0x3FB9];
	_ =	sdelay $0x3  }
0x33: {  	p0 =	seq.s32 s10, $0x1;
	s10 =	sld [smem:$0x3FBB];
	_ =	sdelay $0x3  }
0x34: {  	[smem:$0x3FBB] =	sst s10  }
0x35: {  	s10 =	sld [smem:$0x3FBA];
	_ =	sdelay $0x3  }
0x36: {  	p1 =	seq.s32 s10, $0x1;
	s10 =	sld [smem:$0x3FBB];
	_ =	sdelay $0x3  }
0x37: {  	[smem:$0x3FBB] =	sst s10  }
0x38: {  	s10 =	sld [smem:$0x3FBC]  }
0x39: {  	_ = 	snop;
	(pc) =	sbr.ind lr, $3  }
0x3a: {  	_ = 	snop  }
0x3b: {  	_ = 	snop  }
0x3c: {  	p2 =	seq.s32 s10, $0x1;
	s10 =	sld [smem:$0x3FBB]  }
0x3d: {  	_ =	shalt  }
0x3e: {  	_ =	shalt  }
0x3f: {  	_ =	shalt  }
0x40: {  	_ =	shalt  }
0x41: {  	_ =	shalt  }
0x42: {  	_ =	shalt  }
0x43: {  	_ =	shalt  }
0x44: {  	_ =	shalt  }
0x45: {  	_ =	shalt  }
0x46: {  	_ =	shalt  }
0x47: {  	_ =	shalt  }
0x48: {  	_ =	shalt  }
0x49: {  	_ =	shalt  }
0x4a: {  	_ =	shalt  }
0x4b: {  	_ =	shalt  }
0x4c: {  	_ =	shalt  }
0x4d: {  	_ =	shalt  }
0x4e: {  	_ =	shalt  }
0x4f: {  	_ =	shalt  }
0x50: {  	_ =	shalt  }
0x51: {  	_ =	shalt  }
0x52: {  	_ =	shalt  }
0x53: {  	_ =	shalt  }
0x54: {  	_ =	shalt  }
0x55: {  	_ =	shalt  }
0x56: {  	_ =	shalt  }
0x57: {  	_ =	shalt  }
0x58: {  	_ =	shalt  }
0x59: {  	_ =	shalt  }
0x5a: {  	_ =	shalt  }
0x5b: {  	_ =	shalt  }
0x5c: {  	_ =	shalt  }
0x5d: {  	_ =	shalt  }
0x5e: {  	_ =	shalt  }
0x5f: {  	_ =	shalt  }
0x60: {  	_ =	shalt  }
0x61: {  	_ =	shalt  }
0x62: {  	_ =	shalt  }
0x63: {  	_ =	shalt  }
0x64: {  	_ =	shalt  }
0x65: {  	_ =	shalt  }
0x66: {  	_ =	shalt  }
0x67: {  	_ =	shalt  }
0x68: {  	_ =	shalt  }
0x69: {  	_ =	shalt  }
0x6a: {  	_ =	shalt  }
0x6b: {  	_ =	shalt  }
0x6c: {  	_ =	shalt  }
0x6d: {  	_ =	shalt  }
0x6e: {  	_ =	shalt  }
0x6f: {  	_ =	shalt  }
0x70: {  	_ =	shalt  }
0x71: {  	_ =	shalt  }
0x72: {  	_ =	shalt  }
0x73: {  	_ =	shalt  }
0x74: {  	_ =	shalt  }
0x75: {  	_ =	shalt  }
0x76: {  	_ =	shalt  }
0x77: {  	_ =	shalt  }
0x78: {  	_ =	shalt  }
0x79: {  	_ =	shalt  }
0x7a: {  	_ =	shalt  }
0x7b: {  	_ =	shalt  }
0x7c: {  	_ =	shalt  }
0x7d: {  	_ =	shalt  }
0x7e: {  	_ =	shalt  }
0x7f: {  	_ =	shalt  }
0x80: {  	_ =	shalt  }
0x81: {  	_ =	shalt  }
0x82: {  	_ =	shalt  }
0x83: {  	_ =	shalt  }
0x84: {  	_ =	shalt  }
0x85: {  	_ =	shalt  }
0x86: {  	_ =	shalt  }
0x87: {  	_ =	shalt  }
.Lfunc_end0:
.L_simem_size_0:
called_computation_lowered:
.L_overlay_start_0:
0x88: {  	s0 =	sld [smem:$0x3FD9]  }
0x89: {  	s1 =	sld [smem:$0x3FFE];
	_ =	sdelay $0x3  }
0x8a: {  	s0 =	sadd.s32 s1, s0  }
0x8b: {  	[smem:$0x3FC7] =	sst s0  }
0x8c: {  	_ = 	snop  }
0x8d: {  	s0 =	sld [smem:$0x3FC9]  }
0x8e: {  	s17 =	sld [smem:$0x3FD0];
	(tm) =	ssettm $0x1  }
0x8f: {  	s2 =	sld [smem:$0x3FFB];
	_ =	sdelay $0x3  }
0x90: {  	_ =	strace s2  }
0x91: {  	s2 =	sld [smem:$0x3FFC];
	_ =	sdelay $0x3  }
0x92: {  	_ =	strace s2  }
0x93: {  	s2 =	sld [smem:$0x3FFD];
	_ =	sdelay $0x3  }
0x94: {  	_ =	strace s2  }
0x95: {  	_ =	strace $0x8FFFFFFF  }
0x96: {  	s18 =	sld [smem:$0x3FDB];
	_ =	sdelay $0x1  }
0x97: {  	s3 =	simm.s32 $_scs_section_size  }
0x98: {  	s4 =	simm.s32 $_size__tile_overlayer_lowered;
	s5 =	simm.s32 $_tile_overlayer_lowered  }
0x99: {  	s21 =	simm.s32 $0x1BFF;
	s20 =	sshll.u32 s5, $0x1;
	s2 =	sadd.s32 s3, s18  }
0x9a: {  	s6 =	simm.s32 $0x0;
	s19 =	sshll.u32 s4, $0x1;
	s4 =	sadd.s32 s20, s2  }
0x9b: {  	[timem:s6], [sflag:s21] =	dma.local [hbm:s4], s19  }
0x9c: {  	_ =	swait.ge [sflag:s21], s19  }
0x9d: {  	s3 =	ssub.s32 $0x0, s19;
	[sflag:s21] =	ssyncset.done $0x0  }
0x9e: {  	[sflag:s21] =	ssyncadd.s32 s3;
	_ =	sdelay $0x1  }
0x9f: {  	s22 =	simm.s32 $0x1B8B  }
0xa0: {  	_ =	swait.ge [sflag:s22], $0x1  }
0xa1: {  	[sflag:s22] =	ssyncset.done $0x0  }
0xa2: {  	s23 =	simm.s32 $0x1B8E;
	[sflag:s22] =	ssyncadd.s32 $0xFFFFFFFF  }
0xa3: {  	s24 =	simm.s32 $execute0_lowered;
	[smem:$0x3FD2] =	sst s23  }
0xa4: {  	s3 =	sshll.u32 s24, $0x1;
	_ =	strace $0x80000046;
	[dreg:$0x1] =	wrdreg $0xFFFFFFFF  }
0xa5: {  	s25 =	simm.s32 $_size_execute0_lowered;
	s2 =	sadd.s32 s2, s3;
	[dreg:$0x0] =	wrdreg $0x0  }
0xa6: {  	s3 =	sshll.u32 s25, $0x1;
	[dreg:$0x2] =	wrdreg s2  }
0xa7: {  	[dreg:$0x3] =	wrdreg s3  }
0xa8: {  	[dreg:$0x4] =	wrdreg $0xC0  }
0xa9: {  	_ =	task [dreg:s6], $0x5FFFF  }
0xaa: {  	[dreg:$0x1] =	wrdreg $0xFFFFFFFF  }
0xab: {  	[dreg:$0x0] =	wrdreg $0x60  }
0xac: {  	[dreg:$0x2] =	wrdreg s0  }
0xad: {  	[dreg:$0x3] =	wrdreg s17  }
0xae: {  	[dreg:$0x4] =	wrdreg $0x9  }
0xaf: {  	_ =	task.clear_ibuf [dreg:s6], $0x5FFFF;
	_ =	strace $0x90000046  }
0xb0: {  	s26 =	simm.s32 $0x9;
	_ =	strace $0x80000048  }
0xb1: {  	_ =	swait.ge [sflag:s26], $0x1  }
0xb2: {  	[sflag:s26] =	ssyncadd.s32 $0xFFFFFFFF  }
0xb3: {  	_ =	strace $0x90000048  }
0xb4: {  	_ =	sfence  }
0xb5: {  	s28 =	sld [smem:$0x0];
	_ =	sdelay $0x1  }
0xb6: {  	s29 =	srdreg.scid  }
0xb7: {  	s30 =	sshll.u32 s29, $0xD;
	s31 =	sshrl.u32 s29, $0x2  }
0xb8: {  	s1 =	sand.u32 $0x1, s29;
	s2 =	sand.u32 $0x4000, s30;
	s0 =	sadd.s32 s31, s28  }
0xb9: {  	s1 =	sor.u32 s2, s1;
	s0 =	sshll.u32 s0, $0x11  }
0xba: {  	s0 =	sor.u32 s0, s1  }
0xbb: {  	s0 =	sadd.s32 $0x8F2B, s0  }
0xbc: {  	[sflag:s0] =	ssyncadd.remote.s32 $0x1  }
0xbd: {  	_ =	sfence.sel $0xFFFF  }
0xbe: {  	[dreg:$0x0] =	wrdreg $0xFFFFFFFF;
	(pc) =	sbr.abs _section_cstart, $3  }
0xbf: {  	[dreg:$0x1] =	wrdreg $0xFFFFFFFF  }
0xc0: {  	_ =	task.clear_ibuf [dreg:s6], $0x2FFFF;
	_ =	strace $0x9FFFFFFF  }
0xc1: {  	(tm) =	ssettm $0x7FFFFFFF  }
tec
execute0_lowered:
.L_overlay_start_1:
0x0: {  	(tag) =	ssettag $0x1  }
0x1: {  	s3 =	rddreg [dreg:$0x0]  }
0x2: {  	s2 =	rddreg [dreg:$0x1];
	s4 =	simm.s32 $0x0;
	s1 =	stileid.u32  }
0x3: {  	[smem:$0x7FF] =	sst s4;
	s5 =	sshll.u32 s1, $0x8  }
0x4: {  	s0 =	rddreg [dreg:$0x2];
	_ =	strace $0x80000047;
	s3 =	sadd.s32 s3, s5  }
0x5: {  	[tilespmem:s4], [sflag:$0x1] =	stream.linear.gather [hbm4b:s3+s4], $0x800, $0x38;
	[tilespmem:$0x1080] =	vst v63  }
0x6: {  	v0 =	vimm.f32 $0.0e+00;
	s3 =	simm.s32 $0x840  }
0x7: {  	[tilespmem:s3+$0xFFFFFFC0] =	vst v0  }
0x8: {  	[tilespmem:s3+$0x30] =	vst v0  }
0x9: {  	[tilespmem:s3+$0x20] =	vst v0  }
0xa: {  	[tilespmem:s3+$0x10] =	vst v0  }
0xb: {  	[tilespmem:s3+$0x0] =	vst v0  }
0xc: {  	[tilespmem:s3+$0xFFFFFFF0] =	vst v0  }
0xd: {  	s4 =	sadd.s32 s2, s5;
	s5 =	simm.s32 $0x0;
	[tilespmem:s3+$0xFFFFFFE0] =	vst v0  }
.LBB2_1:
0xe: {  	s5 =	sadd.s32 $0x80, s5;
	[tilespmem:s3+$0xFFFFFFD0] =	vst v0;
	s3 =	sadd.s32 $0x80, s3  }
0xf: {  	[tilespmem:s3+$0xFFFFFFC0] =	vst v0;
	p0 =	slt.u32 s5, $0x780  }
0x10: {  	[tilespmem:s3+$0x30] =	vst v0  }
.Ltmp0:
0x11: {  	[tilespmem:s3+$0x20] =	vst v0;
	(pc) =	sbr.rel @p0 .LBB2_1-.Ltmp0, $4  }
0x12: {  	[tilespmem:s3+$0x10] =	vst v0  }
0x13: {  	[tilespmem:s3+$0x0] =	vst v0  }
0x14: {  	[tilespmem:s3+$0xFFFFFFF0] =	vst v0  }
0x15: {  	[tilespmem:s3+$0xFFFFFFE0] =	vst v0  }
0x16: {  	[tilespmem:s3+$0xFFFFFFD0] =	vst v0;
	s24 =	simm.s32 $0x0;
	s5 =	simm.s32 $0x800;
	s25 =	simm.s32 $0x1  }
0x17: {  	[hbm4b:s4+s24] =	stream.linear.scatter [tilespmem:s5], [sflag:$0x2], $0x800, $0x38;
	[tilespmem:$0x1080] =	vst v63  }
0x18: {  	_ =	swait.ge [sflag:s25], $0x800  }
0x19: {  	[sflag:s25] =	ssyncset.done $0x0  }
0x1a: {  	s3 =	simm.s32 $0x40;
	[sflag:s25] =	ssyncadd.s32 $0xFFFFF800  }
0x1b: {  	v10 =	vimm.f32 $-Inf;
	v11 =	vimm.s32 $0x0;
	v1 =	vlaneseq.u32;
	v20 =	vld [tilespmem:s3+$0xFFFFFFC0]  }
0x1c: {  	v26 =	vimm.f32 $-Inf;
	v21 =	vimm.f32 $-Inf;
	v13 =	vimm.f32 $-Inf;
	v24 =	vld [tilespmem:s3+$0xFFFFFFD0]  }
0x1d: {  	v7 =	vimm.f32 $-Inf;
	v5 =	vimm.f32 $-Inf;
	v3 =	vimm.f32 $-Inf;
	v23 =	vld [tilespmem:s3+$0xFFFFFFE0]  }
0x1e: {  	v2 =	vimm.f32 $-Inf;
	v30 =	vimm.s32 $0x0;
	v28 =	vimm.s32 $0x0;
	v22 =	vld [tilespmem:s3+$0xFFFFFFF0]  }
0x1f: {  	s26 =	simm.s32 $0x70;
	v19 =	vimm.s32 $0x0;
	v12 =	vimm.s32 $0x0;
	v8 =	vimm.s32 $0x0;
	v18 =	vld [tilespmem:s3+$0x0]  }
0x20: {  	s28 =	simm.s32 $0x0;
	s6 =	simm.s32 $0x10;
	s7 =	simm.s32 $0x20;
	v6 =	vimm.s32 $0x0;
	v4 =	vimm.s32 $0x0;
	v0 =	vor.u32 s26, v1;
	v14 =	vld [tilespmem:s3+$0x10]  }
0x21: {  	s29 =	simm.s32 $0x30;
	s30 =	simm.s32 $0x40;
	s31 =	simm.s32 $0x50;
	v31 =	vor.u32 s28, v1;
	v29 =	vor.u32 s6, v1;
	v27 =	vor.u32 s7, v1;
	v15 =	vld [tilespmem:s3+$0x20]  }
0x22: {  	v25 =	vor.u32 s29, v1;
	v17 =	vor.u32 s30, v1;
	v9 =	vor.u32 s31, v1;
	s4 =	simm.s32 $0x60;
	s5 =	simm.s32 $0xF0;
	v16 =	vld [tilespmem:s3+$0x30]  }
.LBB2_3:
0x23: {  	p0 =	sne.s32 s5, $0x7F0;
	vm0 =	vgt.f32 v20, v10;
	vm1 =	vgt.f32 v24, v26;
	v32 =	vor.u32 s4, v1  }
0x24: {  	v10 =	vsel vm0, v20, v10;
	v11 =	vsel vm0, v31, v11;
	v26 =	vsel vm1, v24, v26  }
0x25: {  	vm2 =	vgt.f32 v22, v13;
	s3 =	sadd.s32 $0x80, s3;
	vm0 =	vgt.f32 v23, v21;
	vm3 =	vgt.f32 v18, v7  }
0x26: {  	v13 =	vsel vm2, v22, v13;
	v21 =	vsel vm0, v23, v21;
	v7 =	vsel vm3, v18, v7;
	v20 =	vld [tilespmem:s3+$0xFFFFFFC0]  }
0x27: {  	vm4 =	vgt.f32 v14, v5;
	vm5 =	vgt.f32 v15, v3;
	v24 =	vld [tilespmem:s3+$0xFFFFFFD0];
	vm6 =	vgt.f32 v16, v2  }
0x28: {  	v5 =	vsel vm4, v14, v5;
	v3 =	vsel vm5, v15, v3;
	v23 =	vld [tilespmem:s3+$0xFFFFFFE0];
	v2 =	vsel vm6, v16, v2  }
.Ltmp1:
0x29: {  	v30 =	vsel vm1, v29, v30;
	v19 =	vsel vm2, v25, v19;
	v28 =	vsel vm0, v27, v28;
	v22 =	vld [tilespmem:s3+$0xFFFFFFF0];
	(pc) =	sbr.rel @p0 .LBB2_3-.Ltmp1, $4  }
0x2a: {  	v12 =	vsel vm3, v17, v12;
	v8 =	vsel vm4, v9, v8;
	v6 =	vsel vm5, v32, v6;
	v18 =	vld [tilespmem:s3+$0x0]  }
0x2b: {  	s4 =	sadd.s32 $0xFFFFFF90, s5;
	s6 =	sadd.s32 $0xFFFFFFA0, s5;
	s7 =	sadd.s32 $0xFFFFFFB0, s5;
	v4 =	vsel vm6, v0, v4;
	v0 =	vor.u32 s5, v1;
	v14 =	vld [tilespmem:s3+$0x10]  }
0x2c: {  	v31 =	vor.u32 s4, v1;
	v29 =	vor.u32 s6, v1;
	s4 =	sadd.s32 $0xFFFFFFC0, s5;
	s6 =	sadd.s32 $0xFFFFFFD0, s5;
	v27 =	vor.u32 s7, v1;
	s7 =	sadd.s32 $0xFFFFFFE0, s5;
	v15 =	vld [tilespmem:s3+$0x20]  }
0x2d: {  	v25 =	vor.u32 s4, v1;
	v17 =	vor.u32 s6, v1;
	s4 =	sadd.s32 $0xFFFFFFF0, s5;
	v9 =	vor.u32 s7, v1;
	s5 =	sadd.s32 $0x80, s5;
	v16 =	vld [tilespmem:s3+$0x30]  }
0x2e: {  	vm0 =	vgt.f32 v20, v10  }
0x2f: {  	vm1 =	vgt.f32 v24, v26;
	v10 =	vsel vm0, v20, v10  }
0x30: {  	v11 =	vsel vm0, v31, v11;
	v54 =	vsel vm1, v24, v26;
	v55 =	vsel vm1, v29, v30  }
0x31: {  	vm11 =	veq.f32 v54, v10;
	vm1 =	vlt.s32 v55, v11  }
0x32: {  	vm2 =	vgt.f32 v23, v21;
	vm3 =	vgt.f32 v54, v10;
	vm0 =	vmand vm11, vm1  }
0x33: {  	v21 =	vsel vm2, v23, v21;
	vm0 =	vmor vm3, vm0  }
0x34: {  	v56 =	vsel vm2, v27, v28;
	v10 =	vsel vm0, v54, v10;
	v11 =	vsel vm0, v55, v11  }
0x35: {  	vm12 =	veq.f32 v21, v10;
	vm13 =	vlt.s32 v56, v11  }
0x36: {  	vm14 =	vgt.f32 v22, v13;
	vm15 =	vgt.f32 v21, v10;
	vm0 =	vmand vm12, vm13  }
0x37: {  	v13 =	vsel vm14, v22, v13;
	vm0 =	vmor vm15, vm0  }
0x38: {  	v19 =	vsel vm14, v25, v19;
	v10 =	vsel vm0, v21, v10;
	v11 =	vsel vm0, v56, v11  }
0x39: {  	vm6 =	veq.f32 v13, v10;
	vm7 =	vlt.s32 v19, v11  }
0x3a: {  	vm8 =	vgt.f32 v18, v7;
	vm9 =	vgt.f32 v13, v10;
	vm0 =	vmand vm6, vm7  }
0x3b: {  	v7 =	vsel vm8, v18, v7;
	vm0 =	vmor vm9, vm0  }
0x3c: {  	v12 =	vsel vm8, v17, v12;
	v10 =	vsel vm0, v13, v10;
	v11 =	vsel vm0, v19, v11  }
0x3d: {  	vm10 =	veq.f32 v7, v10;
	vm11 =	vlt.s32 v12, v11  }
0x3e: {  	vm12 =	vgt.f32 v14, v5;
	vm13 =	vgt.f32 v7, v10;
	vm0 =	vmand vm10, vm11  }
0x3f: {  	v5 =	vsel vm12, v14, v5;
	vm0 =	vmor vm13, vm0  }
0x40: {  	v8 =	vsel vm12, v9, v8;
	v7 =	vsel vm0, v7, v10;
	v57 =	vsel vm0, v12, v11  }
0x41: {  	vm14 =	veq.f32 v5, v7;
	vm15 =	vlt.s32 v8, v57  }
0x42: {  	vm6 =	vgt.f32 v15, v3;
	vm7 =	vgt.f32 v5, v7;
	vm0 =	vmand vm14, vm15  }
0x43: {  	v1 =	vor.u32 s4, v1;
	v3 =	vsel vm6, v15, v3;
	vm0 =	vmor vm7, vm0  }
0x44: {  	v1 =	vsel vm6, v1, v6;
	v5 =	vsel vm0, v5, v7;
	v58 =	vsel vm0, v8, v57  }
0x45: {  	vm8 =	veq.f32 v3, v5;
	vm9 =	vlt.s32 v1, v58  }
0x46: {  	vm10 =	vgt.f32 v16, v2;
	vm11 =	vgt.f32 v3, v5;
	vm0 =	vmand vm8, vm9  }
0x47: {  	v2 =	vsel vm10, v16, v2;
	vm0 =	vmor vm11, vm0  }
0x48: {  	v0 =	vsel vm10, v0, v4;
	v3 =	vsel vm0, v3, v5;
	v59 =	vsel vm0, v1, v58  }
0x49: {  	vm12 =	veq.f32 v2, v3;
	vm13 =	vlt.s32 v0, v59  }
0x4a: {  	vm14 =	vgt.f32 v2, v3;
	vm0 =	vmand vm12, vm13  }
0x4b: {  	vm0 =	vmor vm14, vm0  }
0x4c: {  	v60 =	vsel vm0, v2, v3  }
0x4d: {  	v0 =	vsel vm0, v0, v59;
	(v2sf) =	vpush v60, $0x0  }
0x4e: {  	(v2sf) =	vpush v0, $0x0;
	_ =	sdelay $0x1  }
0x4f: {  	(v2sf) =	vpush v60, $0x1  }
0x50: {  	(v2sf) =	vpush v0, $0x1;
	_ =	sdelay $0x4  }
0x51: {  	(v2sf) =	vpush v60, $0x2  }
0x52: {  	(v2sf) =	vpush v0, $0x2;
	_ =	sdelay $0x4  }
0x53: {  	s4 =	spop (v2sf);
	(v2sf) =	vpush v60, $0x3  }
0x54: {  	s3 =	spop (v2sf);
	(v2sf) =	vpush v0, $0x3;
	_ =	sdelay $0x1  }
0x55: {  	s5 =	spop (v2sf)  }
0x56: {  	s6 =	spop (v2sf);
	p0 =	seq.f32 s5, s4  }
0x57: {  	p1 =	slt.s32 s6, s3  }
0x58: {  	(v2sf) =	vpush v60, $0x4;
	p2 =	sgt.f32 s5, s4;
	p0 =	por !p0, !p1  }
0x59: {  	p0 =	por !p0, !p0  }
0x5a: {  	p0 =	por p2, p0  }
0x5b: {  	(v2sf) =	vpush v0, $0x4;
	s4 =	smov.u32 @p0 s5;
	s5 =	spop (v2sf)  }
0x5c: {  	s3 =	smov.u32 @p0 s6;
	s6 =	spop (v2sf);
	p4 =	seq.f32 s5, s4  }
0x5d: {  	p5 =	slt.s32 s6, s3  }
0x5e: {  	p6 =	sgt.f32 s5, s4;
	p0 =	por !p4, !p5  }
0x5f: {  	p0 =	por !p0, !p0  }
0x60: {  	(v2sf) =	vpush v60, $0x5;
	p0 =	por p6, p0  }
0x61: {  	(v2sf) =	vpush v0, $0x5;
	s4 =	smov.u32 @p0 s5;
	s5 =	spop (v2sf)  }
0x62: {  	s3 =	smov.u32 @p0 s6;
	s6 =	spop (v2sf);
	p1 =	seq.f32 s5, s4  }
0x63: {  	p2 =	slt.s32 s6, s3  }
0x64: {  	p3 =	sgt.f32 s5, s4;
	p0 =	por !p1, !p2  }
0x65: {  	p0 =	por !p0, !p0  }
0x66: {  	(v2sf) =	vpush v60, $0x6;
	p0 =	por p3, p0  }
0x67: {  	s4 =	smov.u32 @p0 s5;
	s5 =	spop (v2sf);
	(v2sf) =	vpush v0, $0x6;
	_ =	sdelay $0x2  }
0x68: {  	s3 =	smov.u32 @p0 s6;
	s6 =	spop (v2sf);
	p4 =	seq.f32 s5, s4  }
0x69: {  	p5 =	slt.s32 s6, s3  }
0x6a: {  	p6 =	sgt.f32 s5, s4;
	(v2sf) =	vpush v60, $0x7;
	p0 =	por !p4, !p5  }
0x6b: {  	p0 =	por !p0, !p0  }
0x6c: {  	p0 =	por p6, p0  }
0x6d: {  	s4 =	smov.u32 @p0 s5;
	s5 =	spop (v2sf);
	(v2sf) =	vpush v0, $0x7  }
0x6e: {  	s3 =	smov.u32 @p0 s6;
	s6 =	spop (v2sf);
	p1 =	seq.f32 s5, s4  }
0x6f: {  	p2 =	slt.s32 s6, s3  }
0x70: {  	p3 =	sgt.f32 s5, s4;
	p0 =	por !p1, !p2  }
0x71: {  	p0 =	por !p0, !p0  }
0x72: {  	(v2sf) =	vpush v60, $0x8;
	p0 =	por p3, p0  }
0x73: {  	s4 =	smov.u32 @p0 s5;
	s5 =	spop (v2sf);
	(v2sf) =	vpush v0, $0x8  }
0x74: {  	s3 =	smov.u32 @p0 s6;
	p4 =	seq.f32 s5, s4;
	s6 =	spop (v2sf)  }
0x75: {  	p5 =	slt.s32 s6, s3  }
0x76: {  	p6 =	sgt.f32 s5, s4;
	p0 =	por !p4, !p5  }
0x77: {  	p0 =	por !p0, !p0  }
0x78: {  	(v2sf) =	vpush v60, $0x9;
	p0 =	por p6, p0  }
0x79: {  	s4 =	smov.u32 @p0 s5;
	s5 =	spop (v2sf);
	(v2sf) =	vpush v0, $0x9;
	_ =	sdelay $0x2  }
0x7a: {  	s3 =	smov.u32 @p0 s6;
	s6 =	spop (v2sf);
	p1 =	seq.f32 s5, s4  }
0x7b: {  	p2 =	slt.s32 s6, s3  }
0x7c: {  	p3 =	sgt.f32 s5, s4;
	(v2sf) =	vpush v60, $0xA;
	p0 =	por !p1, !p2  }
0x7d: {  	p0 =	por !p0, !p0  }
0x7e: {  	p0 =	por p3, p0  }
0x7f: {  	s4 =	smov.u32 @p0 s5;
	s5 =	spop (v2sf);
	(v2sf) =	vpush v0, $0xA  }
0x80: {  	s3 =	smov.u32 @p0 s6;
	s6 =	spop (v2sf);
	p4 =	seq.f32 s5, s4  }
0x81: {  	p5 =	slt.s32 s6, s3  }
0x82: {  	p6 =	sgt.f32 s5, s4;
	p0 =	por !p4, !p5  }
0x83: {  	p0 =	por !p0, !p0  }
0x84: {  	(v2sf) =	vpush v60, $0xB;
	p0 =	por p6, p0  }
0x85: {  	s4 =	smov.u32 @p0 s5;
	s5 =	spop (v2sf);
	(v2sf) =	vpush v0, $0xB  }
0x86: {  	s3 =	smov.u32 @p0 s6;
	p1 =	seq.f32 s5, s4;
	s6 =	spop (v2sf)  }
0x87: {  	p2 =	slt.s32 s6, s3  }
0x88: {  	p3 =	sgt.f32 s5, s4;
	p0 =	por !p1, !p2  }
0x89: {  	p0 =	por !p0, !p0  }
0x8a: {  	(v2sf) =	vpush v60, $0xC;
	p0 =	por p3, p0  }
0x8b: {  	s4 =	smov.u32 @p0 s5;
	s5 =	spop (v2sf);
	(v2sf) =	vpush v0, $0xC;
	_ =	sdelay $0x2  }
0x8c: {  	s3 =	smov.u32 @p0 s6;
	s6 =	spop (v2sf);
	p4 =	seq.f32 s5, s4  }
0x8d: {  	p5 =	slt.s32 s6, s3  }
0x8e: {  	p6 =	sgt.f32 s5, s4;
	(v2sf) =	vpush v60, $0xD;
	p0 =	por !p4, !p5  }
0x8f: {  	(v2sf) =	vpush v0, $0xD;
	p0 =	por !p0, !p0  }
0x90: {  	p0 =	por p6, p0  }
0x91: {  	s4 =	smov.u32 @p0 s5;
	s5 =	spop (v2sf)  }
0x92: {  	s3 =	smov.u32 @p0 s6;
	s6 =	spop (v2sf);
	p1 =	seq.f32 s5, s4  }
0x93: {  	p2 =	slt.s32 s6, s3  }
0x94: {  	(v2sf) =	vpush v60, $0xE;
	p3 =	sgt.f32 s5, s4;
	p0 =	por !p1, !p2  }
0x95: {  	(v2sf) =	vpush v0, $0xE;
	p0 =	por !p0, !p0  }
0x96: {  	p0 =	por p3, p0  }
0x97: {  	s4 =	smov.u32 @p0 s5;
	s5 =	spop (v2sf)  }
0x98: {  	s3 =	smov.u32 @p0 s6;
	p4 =	seq.f32 s5, s4;
	s6 =	spop (v2sf)  }
0x99: {  	(v2sf) =	vpush v60, $0xF;
	p5 =	slt.s32 s6, s3  }
0x9a: {  	p6 =	sgt.f32 s5, s4;
	(v2sf) =	vpush v0, $0xF;
	p0 =	por !p4, !p5  }
0x9b: {  	p0 =	por !p0, !p0  }
0x9c: {  	p0 =	por p6, p0  }
0x9d: {  	s7 =	spop (v2sf);
	s4 =	smov.u32 @p0 s5  }
0x9e: {  	s5 =	spop (v2sf);
	s3 =	smov.u32 @p0 s6;
	p1 =	seq.f32 s7, s4  }
0x9f: {  	p2 =	slt.s32 s5, s3  }
0xa0: {  	p3 =	sgt.f32 s7, s4;
	p0 =	por !p1, !p2  }
0xa1: {  	p0 =	por !p0, !p0  }
0xa2: {  	p0 =	por p3, p0  }
0xa3: {  	s6 =	spop (v2sf);
	s4 =	smov.u32 @p0 s7  }
0xa4: {  	s7 =	spop (v2sf);
	s3 =	smov.u32 @p0 s5;
	p4 =	seq.f32 s6, s4  }
0xa5: {  	p5 =	slt.s32 s7, s3  }
0xa6: {  	p6 =	sgt.f32 s6, s4;
	p0 =	por !p4, !p5  }
0xa7: {  	p0 =	por !p0, !p0  }
0xa8: {  	s24 =	spop (v2sf);
	p0 =	por p6, p0  }
0xa9: {  	s4 =	smov.u32 @p0 s6;
	s3 =	smov.u32 @p0 s7;
	s6 =	spop (v2sf)  }
0xaa: {  	p0 =	seq.f32 s24, s4;
	p1 =	slt.s32 s6, s3;
	s7 =	smov.u32 s3  }
0xab: {  	p2 =	sgt.f32 s24, s4;
	s7 =	smov.u32 @p1 s6  }
0xac: {  	s3 =	smov.u32 @p0 s7  }
0xad: {  	s3 =	smov.u32 @p2 s6  }
0xae: {  	s25 =	sand.u32 $0xF, s3  }
0xaf: {  	v62 =	vlaneseq.u32;
	v61 =	vmov s25  }
0xb0: {  	v63 =	vimm.f32 $0.0e+00;
	vm15 =	veq.s32 v61, v62  }
0xb1: {  	v0 =	vsel vm15, $0x3F800000, v63  }
0xb2: {  	s26 =	simm.s32 $0x2;
	s28 =	sshll.u32 s1, $0xB;
	s3 =	sand.u32 $0xFFFFFFF0, s3;
	[tilespmem:$0x1000] =	vst v0  }
0xb3: {  	s29 =	simm.s32 $0x0;
	s3 =	sadd.s32 s28, s3;
	_ =	swait.ge [sflag:s26], $0x800  }
0xb4: {  	s30 =	simm.s32 $0x1000;
	s3 =	sshrl.u32 s3, $0x3;
	[sflag:s26] =	ssyncset.done $0x0  }
0xb5: {  	s31 =	simm.s32 $0x3;
	s2 =	sadd.s32 s2, s3;
	[sflag:s26] =	ssyncadd.s32 $0xFFFFF800  }
0xb6: {  	[hbm4b:s2+s29] =	stream.linear.scatter [tilespmem:s30], [sflag:$0x3], $0x10, $0x38;
	[tilespmem:$0x1080] =	vst v63  }
0xb7: {  	_ =	swait.ge [sflag:s31], $0x10  }
0xb8: {  	[sflag:s31] =	ssyncset.done $0x0  }
0xb9: {  	[sflag:s31] =	ssyncadd.s32 $0xFFFFFFF0  }
0xba: {  	_ =	sfence.sel $0x180000  }
0xbb: {  	[bflag:$0x0] =	sbarrier.arrive $0xFFFF  }
0xbc: {  	p0 =	sne.s32 s1, $0x0;
	_ =	strace $0x90000047  }
0xbd: {  	s0 =	sadd.s32 @!p0 $0x100000, s0;
	[bflag:$0x2] =	sbarrier.arrive $0xFFFF  }
0xbe: {  	[sflag:s0] =	ssyncadd.tile.s32 @!p0 $0x1;
	_ =	shalt  }
.Lfunc_end2:
_tile_overlayer_lowered:
.L_overlay_start_2:
0xbf: {  	(tag) =	ssettag $0x2  }
0xc0: {  	s0 =	rddreg [dreg:$0x0];
	s2 =	stileid.u32  }
0xc1: {  	s1 =	rddreg [dreg:$0x1];
	p0 =	sne.s32 s2, $0x0  }
0xc2: {  	s3 =	rddreg [dreg:$0x2];
	[bflag:$0x3] =	sbarrier.arrive $0xFFFF;
	s2 =	simm.s32 @!p0 $0x1C03  }
0xc3: {  	[timem:s3], [sflag:s2] =	dma.local @!p0 [hbm:s0], s1  }
0xc4: {  	s0 =	simm.s32 @!p0 $0x3  }
0xc5: {  	_ =	swait.ge @!p0 [sflag:s0], s1  }
0xc6: {  	s1 =	ssub.s32 @!p0 $0x0, s1;
	[sflag:s0] =	ssyncset.done @!p0 $0x0  }
0xc7: {  	[sflag:s0] =	ssyncadd.s32 @!p0 s1  }
0xc8: {  	[bflag:$0x3] =	sbarrier.arrive $0xFFFF  }
0xc9: {  	_ =	shalt  }

</sc_bundles>
